<compile_context>
chip_gen: v7x
topology: tpu7x:2x2x1
jax: 0.10.2.dev20260603
libtpu: 0.0.44.dev20260713+nightly
codegen_flags: <defaults>
</compile_context>

<pallas_src>
import functools

import jax
import jax.numpy as jnp
from jax import lax
from jax.experimental import pallas as pl
from jax.experimental.pallas import tpu as pltpu
from jax.experimental.pallas import tpu_sc as plsc

B, L = 4096, 200
TEXT_DIM, AUDIO_DIM, SPKR_DIM = 128, 64, 32
VOCAB, N_SPK = 1000000, 1000

_INFO = plsc.get_sparse_core_info()
_NC, _NS = _INFO.num_cores, _INFO.num_subcores
_NW = _NC * _NS
_BPW = B // _NW
_LANE = 16
_NCH = _BPW // _LANE
_WIN = 24



def _rowdot_body(x_ref, w_ref, o_ref):
    o_ref[...] = jnp.dot(x_ref[...], w_ref[...],
                         preferred_element_type=jnp.float32)


def _rowdot(x, w, block_rows):
    n, d = x.shape
    grid = n // block_rows
    return pl.pallas_call(
        _rowdot_body,
        grid=(grid,),
        in_specs=[
            pl.BlockSpec((block_rows, d), lambda i: (i, 0)),
            pl.BlockSpec((d, 1), lambda i: (0, 0)),
        ],
        out_specs=pl.BlockSpec((block_rows, 1), lambda i: (i, 0)),
        out_shape=jax.ShapeDtypeStruct((n, 1), jnp.float32),
    )(x, w.reshape(d, 1))


def _combine_body(a_ref, t_ref, b_ref, o_ref):
    z = (a_ref[...] + t_ref[...]) * (1.0 / L) + b_ref[...]
    o_ref[...] = jax.nn.sigmoid(z)


def _combine(ac_sum, ts_sum, bias):
    a2 = ac_sum.reshape(32, 128)
    t2 = ts_sum.reshape(32, 128)
    return pl.pallas_call(
        _combine_body,
        out_shape=jax.ShapeDtypeStruct((32, 128), jnp.float32),
    )(a2, t2, bias.reshape(1, 1)).reshape(B)



def _sc_gather_body(text_hbm, spk_hbm, pe_hbm, ps_hbm, out_hbm,
                    idx_t, idx_s, buf_t, buf_s, out_v, sem_t, sem_s):
    wid = lax.axis_index("s") * _NC + lax.axis_index("c")

    pltpu.sync_copy(text_hbm.at[wid], idx_t)
    pltpu.sync_copy(spk_hbm.at[wid], idx_s)

    pltpu.async_copy(pe_hbm.at[idx_t], buf_t, sem_t)
    pltpu.async_copy(ps_hbm.at[idx_s], buf_s, sem_s)
    pltpu.make_async_copy(pe_hbm.at[idx_t], buf_t, sem_t).wait()
    pltpu.make_async_copy(ps_hbm.at[idx_s], buf_s, sem_s).wait()

    def _acc(l, accs):
        base = l * _BPW
        new = []
        for j in range(_NCH):
            o = base + j * _LANE
            new.append(accs[j] + buf_t[pl.ds(o, _LANE)]
                       + buf_s[pl.ds(o, _LANE)])
        return tuple(new)

    zeros = tuple(jnp.zeros((_LANE,), jnp.float32) for _ in range(_NCH))
    accs = lax.fori_loop(0, L, _acc, zeros)
    for j in range(_NCH):
        out_v[pl.ds(j * _LANE, _LANE)] = accs[j]

    pltpu.sync_copy(out_v, out_hbm.at[pl.ds(wid * _BPW, _BPW)])


_sc_gather = functools.partial(
    pl.kernel,
    out_type=jax.ShapeDtypeStruct((B,), jnp.float32),
    mesh=plsc.VectorSubcoreMesh(core_axis_name="c", subcore_axis_name="s"),
    scratch_types=[
        pltpu.VMEM((L * _BPW,), jnp.int32),
        pltpu.VMEM((L * _BPW,), jnp.int32),
        pltpu.VMEM((L * _BPW,), jnp.float32),
        pltpu.VMEM((L * _BPW,), jnp.float32),
        pltpu.VMEM((_BPW,), jnp.float32),
        pltpu.SemaphoreType.DMA,
        pltpu.SemaphoreType.DMA,
    ],
)(_sc_gather_body)



def kernel(acoustic_input, text_input, speaker_input, embedding_table,
           speaker_table, W, b):
    w_a = W[0, :AUDIO_DIM]
    w_t = W[0, AUDIO_DIM:AUDIO_DIM + TEXT_DIM]
    w_s = W[0, AUDIO_DIM + TEXT_DIM:]

    proj_e = _rowdot(embedding_table, w_t, 8000).reshape(VOCAB)
    proj_s = _rowdot(speaker_table, w_s, N_SPK).reshape(N_SPK)

    ac_flat = acoustic_input.reshape(B, L * AUDIO_DIM)
    w_a_t = jnp.tile(w_a, L)
    ac_sum = _rowdot(ac_flat, w_a_t, 128).reshape(B)

    def _blocked(idx):
        i = idx.astype(jnp.int32).reshape(_NW, _BPW, L)
        return jnp.transpose(i, (0, 2, 1)).reshape(_NW, L * _BPW)

    ts_sum = _sc_gather(_blocked(text_input), _blocked(speaker_input),
                        proj_e, proj_s)

    return _combine(ac_sum, ts_sum, b)

# --- scband reference (transcript-rebuilt; emitter-appended) ---
"""Pipeline reference for scband-lrbaseline-12206297055513 (READ-ONLY COPY).

The authoritative reference and input builder live on the scoring server;
editing this copy changes nothing except your own understanding.
"""

import jax, jax.numpy as jnp
import numpy as np

B, L = 4096, 200
TEXT_DIM, AUDIO_DIM, SPKR_DIM = 128, 64, 32
VOCAB, N_SPK = 1000000, 1000


def setup_inputs(seed: int = 0) -> dict:
    key = jax.random.key(seed)
    ks = jax.random.split(key, 8)
    acoustic_input = jax.random.normal(ks[0], (B, L, AUDIO_DIM), dtype=jnp.float32)
    text_input = jax.random.randint(ks[1], (B, L), 0, VOCAB, dtype=jnp.int64 if jax.config.jax_enable_x64 else jnp.int32)
    speaker_input = jax.random.randint(ks[2], (B, L), 0, N_SPK, dtype=jnp.int64 if jax.config.jax_enable_x64 else jnp.int32)
    embedding_table = jax.random.normal(ks[3], (VOCAB, TEXT_DIM), dtype=jnp.float32) * 0.02
    embedding_table = embedding_table.at[0].set(0.0)  # padding_idx=0 row initialized to zero
    speaker_table = jax.random.normal(ks[4], (N_SPK, SPKR_DIM), dtype=jnp.float32) * 0.02
    in_dim = TEXT_DIM + AUDIO_DIM + SPKR_DIM
    W = jax.random.normal(ks[5], (1, in_dim), dtype=jnp.float32) * (1.0 / np.sqrt(in_dim))
    b = jnp.zeros((1,), dtype=jnp.float32)
    return {
        "acoustic_input": acoustic_input,
        "text_input": text_input,
        "speaker_input": speaker_input,
        "embedding_table": embedding_table,
        "speaker_table": speaker_table,
        "W": W,
        "b": b,
    }


def reference(acoustic_input, text_input, speaker_input, embedding_table, speaker_table, W, b):
    # embedding lookups (gather)
    embs = jnp.take(embedding_table, text_input, axis=0)          # [B, L, TEXT_DIM]
    spk_embs = jnp.take(speaker_table, speaker_input, axis=0)    # [B, L, SPKR_DIM]
    # cat along feature dim (dim=2), permute(0,2,1)
    inputs = jnp.concatenate((acoustic_input, embs, spk_embs), axis=2)  # [B, L, D]
    inputs = jnp.transpose(inputs, (0, 2, 1))                    # [B, D, L]
    # avg_pool1d over full length + squeeze -> mean over last axis
    pooled = jnp.mean(inputs, axis=2)                            # [B, D]
    outputs = jax.nn.sigmoid(pooled @ W.T + b)                   # [B, 1]
    return jnp.squeeze(outputs, axis=1)                          # [B]

if __name__ == "__main__":
    import jax
    _d = setup_inputs()
    print(jax.jit(kernel)(*tuple(_d.values())))

</pallas_src>

<mosaic_0001>
#map = affine_map<(d0, d1) -> (0, 0)>
#map1 = affine_map<(d0, d1) -> (0)>
module attributes {stable_mosaic.version = 14 : i64} {
  func.func @_sc_gather_body(%arg0: i32, %arg1: i32, %arg2: memref<32x25600xi32, #tpu.memory_space<hbm>>, %arg3: memref<32x25600xi32, #tpu.memory_space<hbm>>, %arg4: memref<1000000xf32, #tpu.memory_space<hbm>>, %arg5: memref<1000xf32, #tpu.memory_space<hbm>>, %arg6: memref<4096xf32, #tpu.memory_space<hbm>>, %arg7: memref<25600xi32, #tpu.memory_space<vmem>>, %arg8: memref<25600xi32, #tpu.memory_space<vmem>>, %arg9: memref<25600xf32, #tpu.memory_space<vmem>>, %arg10: memref<25600xf32, #tpu.memory_space<vmem>>, %arg11: memref<128xf32, #tpu.memory_space<vmem>>, %arg12: memref<!tpu.dma_semaphore, #tpu.memory_space<semaphore_mem>>, %arg13: memref<!tpu.dma_semaphore, #tpu.memory_space<semaphore_mem>>) attributes {dimension_semantics = [#tpu.dimension_semantics<core_parallel>, #tpu.dimension_semantics<subcore_parallel>], iteration_bounds = array<i64: 2, 16>, scalar_prefetch = 0 : i64, scratch_operands = 7 : i64, tpu.core_type = #tpu.core_type<sc_vector_subcore>, window_params = [{transform_indices = #map}, {transform_indices = #map}, {transform_indices = #map1}, {transform_indices = #map1}, {transform_indices = #map1}]} {
    %mul3A = arith.constant 2 : i32
    %mul3A_0 = arith.muli %arg1, %mul3A : i32
    %add3A = arith.addi %mul3A_0, %arg0 : i32
    "tpu.region"() ({
      %run_scoped3A = tpu.sem_alloc : memref<!tpu.dma_semaphore, #tpu.memory_space<semaphore_mem>>
      %dma_start3A_60 = arith.constant 0 : i32
      %dma_start3A_61 = tpu.memref_slice %arg2[%add3A, %dma_start3A_60] : memref<32x25600xi32, #tpu.memory_space<hbm>> -> memref<1x25600xi32, #tpu.memory_space<hbm>>
      %dma_start3A_62 = tpu.memref_squeeze %dma_start3A_61 : memref<1x25600xi32, #tpu.memory_space<hbm>> -> memref<25600xi32, #tpu.memory_space<hbm>>
      %dma_start3A_63 = arith.constant 0 : i32
      %dma_start3A_64 = tpu.memref_slice %arg2[%add3A, %dma_start3A_63] : memref<32x25600xi32, #tpu.memory_space<hbm>> -> memref<1x25600xi32, #tpu.memory_space<hbm>>
      %dma_start3A_65 = tpu.memref_squeeze %dma_start3A_64 : memref<1x25600xi32, #tpu.memory_space<hbm>> -> memref<25600xi32, #tpu.memory_space<hbm>>
      tpu.enqueue_dma source(%dma_start3A_65 : memref<25600xi32, #tpu.memory_space<hbm>>) target(%arg7 : memref<25600xi32, #tpu.memory_space<vmem>>) target_semaphore(%run_scoped3A : memref<!tpu.dma_semaphore, #tpu.memory_space<semaphore_mem>>)
      %dma_wait3A_66 = arith.constant 0 : i32
      %dma_wait3A_67 = tpu.memref_slice %arg2[%add3A, %dma_wait3A_66] : memref<32x25600xi32, #tpu.memory_space<hbm>> -> memref<1x25600xi32, #tpu.memory_space<hbm>>
      %dma_wait3A_68 = tpu.memref_squeeze %dma_wait3A_67 : memref<1x25600xi32, #tpu.memory_space<hbm>> -> memref<25600xi32, #tpu.memory_space<hbm>>
      %dma_wait3A_69 = arith.constant 0 : i32
      %dma_wait3A_70 = tpu.memref_slice %arg2[%add3A, %dma_wait3A_69] : memref<32x25600xi32, #tpu.memory_space<hbm>> -> memref<1x25600xi32, #tpu.memory_space<hbm>>
      %dma_wait3A_71 = tpu.memref_squeeze %dma_wait3A_70 : memref<1x25600xi32, #tpu.memory_space<hbm>> -> memref<25600xi32, #tpu.memory_space<hbm>>
      tpu.wait_dma2 semaphore(%run_scoped3A : memref<!tpu.dma_semaphore, #tpu.memory_space<semaphore_mem>>) src(%dma_wait3A_71 : memref<25600xi32, #tpu.memory_space<hbm>>) dst(%arg7 : memref<25600xi32, #tpu.memory_space<vmem>>)
      tpu.yield
    }) : () -> ()
    "tpu.region"() ({
      %run_scoped3A = tpu.sem_alloc : memref<!tpu.dma_semaphore, #tpu.memory_space<semaphore_mem>>
      %dma_start3A_60 = arith.constant 0 : i32
      %dma_start3A_61 = tpu.memref_slice %arg3[%add3A, %dma_start3A_60] : memref<32x25600xi32, #tpu.memory_space<hbm>> -> memref<1x25600xi32, #tpu.memory_space<hbm>>
      %dma_start3A_62 = tpu.memref_squeeze %dma_start3A_61 : memref<1x25600xi32, #tpu.memory_space<hbm>> -> memref<25600xi32, #tpu.memory_space<hbm>>
      %dma_start3A_63 = arith.constant 0 : i32
      %dma_start3A_64 = tpu.memref_slice %arg3[%add3A, %dma_start3A_63] : memref<32x25600xi32, #tpu.memory_space<hbm>> -> memref<1x25600xi32, #tpu.memory_space<hbm>>
      %dma_start3A_65 = tpu.memref_squeeze %dma_start3A_64 : memref<1x25600xi32, #tpu.memory_space<hbm>> -> memref<25600xi32, #tpu.memory_space<hbm>>
      tpu.enqueue_dma source(%dma_start3A_65 : memref<25600xi32, #tpu.memory_space<hbm>>) target(%arg8 : memref<25600xi32, #tpu.memory_space<vmem>>) target_semaphore(%run_scoped3A : memref<!tpu.dma_semaphore, #tpu.memory_space<semaphore_mem>>)
      %dma_wait3A_66 = arith.constant 0 : i32
      %dma_wait3A_67 = tpu.memref_slice %arg3[%add3A, %dma_wait3A_66] : memref<32x25600xi32, #tpu.memory_space<hbm>> -> memref<1x25600xi32, #tpu.memory_space<hbm>>
      %dma_wait3A_68 = tpu.memref_squeeze %dma_wait3A_67 : memref<1x25600xi32, #tpu.memory_space<hbm>> -> memref<25600xi32, #tpu.memory_space<hbm>>
      %dma_wait3A_69 = arith.constant 0 : i32
      %dma_wait3A_70 = tpu.memref_slice %arg3[%add3A, %dma_wait3A_69] : memref<32x25600xi32, #tpu.memory_space<hbm>> -> memref<1x25600xi32, #tpu.memory_space<hbm>>
      %dma_wait3A_71 = tpu.memref_squeeze %dma_wait3A_70 : memref<1x25600xi32, #tpu.memory_space<hbm>> -> memref<25600xi32, #tpu.memory_space<hbm>>
      tpu.wait_dma2 semaphore(%run_scoped3A : memref<!tpu.dma_semaphore, #tpu.memory_space<semaphore_mem>>) src(%dma_wait3A_71 : memref<25600xi32, #tpu.memory_space<hbm>>) dst(%arg8 : memref<25600xi32, #tpu.memory_space<vmem>>)
      tpu.yield
    }) : () -> ()
    %dma_start3A = arith.constant 0 : i32
    %dma_start3A_1 = tpu.memref_slice %arg4[%dma_start3A] : memref<1000000xf32, #tpu.memory_space<hbm>> -> memref<1000000xf32, #tpu.memory_space<hbm>>
    tpu.enqueue_indirect_dma source(%dma_start3A_1 : memref<1000000xf32, #tpu.memory_space<hbm>>) target(%arg9 : memref<25600xf32, #tpu.memory_space<vmem>>) offsets(%arg7 : memref<25600xi32, #tpu.memory_space<vmem>>) semaphore(%arg12 : memref<!tpu.dma_semaphore, #tpu.memory_space<semaphore_mem>>)
    %dma_start3A_2 = arith.constant 0 : i32
    %dma_start3A_3 = tpu.memref_slice %arg5[%dma_start3A_2] : memref<1000xf32, #tpu.memory_space<hbm>> -> memref<1000xf32, #tpu.memory_space<hbm>>
    tpu.enqueue_indirect_dma source(%dma_start3A_3 : memref<1000xf32, #tpu.memory_space<hbm>>) target(%arg10 : memref<25600xf32, #tpu.memory_space<vmem>>) offsets(%arg8 : memref<25600xi32, #tpu.memory_space<vmem>>) semaphore(%arg13 : memref<!tpu.dma_semaphore, #tpu.memory_space<semaphore_mem>>)
    %dma_wait3A = arith.constant 0 : i32
    %dma_wait3A_4 = tpu.memref_slice %arg4[%dma_wait3A] : memref<1000000xf32, #tpu.memory_space<hbm>> -> memref<1000000xf32, #tpu.memory_space<hbm>>
    tpu.wait_indirect_dma semaphore(%arg12 : memref<!tpu.dma_semaphore, #tpu.memory_space<semaphore_mem>>) src(%dma_wait3A_4 : memref<1000000xf32, #tpu.memory_space<hbm>>) dst(%arg9 : memref<25600xf32, #tpu.memory_space<vmem>>)
    %dma_wait3A_5 = arith.constant 0 : i32
    %dma_wait3A_6 = tpu.memref_slice %arg5[%dma_wait3A_5] : memref<1000xf32, #tpu.memory_space<hbm>> -> memref<1000xf32, #tpu.memory_space<hbm>>
    tpu.wait_indirect_dma semaphore(%arg13 : memref<!tpu.dma_semaphore, #tpu.memory_space<semaphore_mem>>) src(%dma_wait3A_6 : memref<1000xf32, #tpu.memory_space<hbm>>) dst(%arg10 : memref<25600xf32, #tpu.memory_space<vmem>>)
    %broadcast_in_dim3A = arith.constant 0.000000e+00 : f32
    %broadcast_in_dim3A_7 = vector.broadcast %broadcast_in_dim3A : f32 to vector<16xf32>
    %broadcast_in_dim3A_8 = arith.constant 0.000000e+00 : f32
    %broadcast_in_dim3A_9 = vector.broadcast %broadcast_in_dim3A_8 : f32 to vector<16xf32>
    %broadcast_in_dim3A_10 = arith.constant 0.000000e+00 : f32
    %broadcast_in_dim3A_11 = vector.broadcast %broadcast_in_dim3A_10 : f32 to vector<16xf32>
    %broadcast_in_dim3A_12 = arith.constant 0.000000e+00 : f32
    %broadcast_in_dim3A_13 = vector.broadcast %broadcast_in_dim3A_12 : f32 to vector<16xf32>
    %broadcast_in_dim3A_14 = arith.constant 0.000000e+00 : f32
    %broadcast_in_dim3A_15 = vector.broadcast %broadcast_in_dim3A_14 : f32 to vector<16xf32>
    %broadcast_in_dim3A_16 = arith.constant 0.000000e+00 : f32
    %broadcast_in_dim3A_17 = vector.broadcast %broadcast_in_dim3A_16 : f32 to vector<16xf32>
    %broadcast_in_dim3A_18 = arith.constant 0.000000e+00 : f32
    %broadcast_in_dim3A_19 = vector.broadcast %broadcast_in_dim3A_18 : f32 to vector<16xf32>
    %broadcast_in_dim3A_20 = arith.constant 0.000000e+00 : f32
    %broadcast_in_dim3A_21 = vector.broadcast %broadcast_in_dim3A_20 : f32 to vector<16xf32>
    %scan3A = arith.constant 0 : i32
    %scan3A_22 = arith.constant 200 : i32
    %scan3A_23 = arith.addi %scan3A, %scan3A_22 : i32
    %scan3A_24 = arith.constant 1 : i32
    %scan3A_25:8 = scf.for %scan3A_60 = %scan3A to %scan3A_23 step %scan3A_24 iter_args(%scan3A_61 = %broadcast_in_dim3A_7, %scan3A_62 = %broadcast_in_dim3A_9, %scan3A_63 = %broadcast_in_dim3A_11, %scan3A_64 = %broadcast_in_dim3A_13, %scan3A_65 = %broadcast_in_dim3A_15, %scan3A_66 = %broadcast_in_dim3A_17, %scan3A_67 = %broadcast_in_dim3A_19, %scan3A_68 = %broadcast_in_dim3A_21) -> (vector<16xf32>, vector<16xf32>, vector<16xf32>, vector<16xf32>, vector<16xf32>, vector<16xf32>, vector<16xf32>, vector<16xf32>)  : i32 {
      %mul3A_69 = arith.constant 128 : i32
      %mul3A_70 = arith.muli %scan3A_60, %mul3A_69 : i32
      %add3A_71 = arith.constant 0 : i32
      %add3A_72 = arith.addi %mul3A_70, %add3A_71 : i32
      %get3A = arith.index_cast %add3A_72 : i32 to index
      %get3A_73 = tpu.vector_load %arg9[%get3A] {strides = array<i32>} : memref<25600xf32, #tpu.memory_space<vmem>>, vector<16xf32>,
      %get3A_74 = vector.shape_cast %get3A_73 : vector<16xf32> to vector<16xf32>
      %add3A_75 = arith.addf %scan3A_61, %get3A_74 : vector<16xf32>
      %get3A_76 = arith.index_cast %add3A_72 : i32 to index
      %get3A_77 = tpu.vector_load %arg10[%get3A_76] {strides = array<i32>} : memref<25600xf32, #tpu.memory_space<vmem>>, vector<16xf32>,
      %get3A_78 = vector.shape_cast %get3A_77 : vector<16xf32> to vector<16xf32>
      %add3A_79 = arith.addf %add3A_75, %get3A_78 : vector<16xf32>
      %add3A_80 = arith.constant 16 : i32
      %add3A_81 = arith.addi %mul3A_70, %add3A_80 : i32
      %get3A_82 = arith.index_cast %add3A_81 : i32 to index
      %get3A_83 = tpu.vector_load %arg9[%get3A_82] {strides = array<i32>} : memref<25600xf32, #tpu.memory_space<vmem>>, vector<16xf32>,
      %get3A_84 = vector.shape_cast %get3A_83 : vector<16xf32> to vector<16xf32>
      %add3A_85 = arith.addf %scan3A_62, %get3A_84 : vector<16xf32>
      %get3A_86 = arith.index_cast %add3A_81 : i32 to index
      %get3A_87 = tpu.vector_load %arg10[%get3A_86] {strides = array<i32>} : memref<25600xf32, #tpu.memory_space<vmem>>, vector<16xf32>,
      %get3A_88 = vector.shape_cast %get3A_87 : vector<16xf32> to vector<16xf32>
      %add3A_89 = arith.addf %add3A_85, %get3A_88 : vector<16xf32>
      %add3A_90 = arith.constant 32 : i32
      %add3A_91 = arith.addi %mul3A_70, %add3A_90 : i32
      %get3A_92 = arith.index_cast %add3A_91 : i32 to index
      %get3A_93 = tpu.vector_load %arg9[%get3A_92] {strides = array<i32>} : memref<25600xf32, #tpu.memory_space<vmem>>, vector<16xf32>,
      %get3A_94 = vector.shape_cast %get3A_93 : vector<16xf32> to vector<16xf32>
      %add3A_95 = arith.addf %scan3A_63, %get3A_94 : vector<16xf32>
      %get3A_96 = arith.index_cast %add3A_91 : i32 to index
      %get3A_97 = tpu.vector_load %arg10[%get3A_96] {strides = array<i32>} : memref<25600xf32, #tpu.memory_space<vmem>>, vector<16xf32>,
      %get3A_98 = vector.shape_cast %get3A_97 : vector<16xf32> to vector<16xf32>
      %add3A_99 = arith.addf %add3A_95, %get3A_98 : vector<16xf32>
      %add3A_100 = arith.constant 48 : i32
      %add3A_101 = arith.addi %mul3A_70, %add3A_100 : i32
      %get3A_102 = arith.index_cast %add3A_101 : i32 to index
      %get3A_103 = tpu.vector_load %arg9[%get3A_102] {strides = array<i32>} : memref<25600xf32, #tpu.memory_space<vmem>>, vector<16xf32>,
      %get3A_104 = vector.shape_cast %get3A_103 : vector<16xf32> to vector<16xf32>
      %add3A_105 = arith.addf %scan3A_64, %get3A_104 : vector<16xf32>
      %get3A_106 = arith.index_cast %add3A_101 : i32 to index
      %get3A_107 = tpu.vector_load %arg10[%get3A_106] {strides = array<i32>} : memref<25600xf32, #tpu.memory_space<vmem>>, vector<16xf32>,
      %get3A_108 = vector.shape_cast %get3A_107 : vector<16xf32> to vector<16xf32>
      %add3A_109 = arith.addf %add3A_105, %get3A_108 : vector<16xf32>
      %add3A_110 = arith.constant 64 : i32
      %add3A_111 = arith.addi %mul3A_70, %add3A_110 : i32
      %get3A_112 = arith.index_cast %add3A_111 : i32 to index
      %get3A_113 = tpu.vector_load %arg9[%get3A_112] {strides = array<i32>} : memref<25600xf32, #tpu.memory_space<vmem>>, vector<16xf32>,
      %get3A_114 = vector.shape_cast %get3A_113 : vector<16xf32> to vector<16xf32>
      %add3A_115 = arith.addf %scan3A_65, %get3A_114 : vector<16xf32>
      %get3A_116 = arith.index_cast %add3A_111 : i32 to index
      %get3A_117 = tpu.vector_load %arg10[%get3A_116] {strides = array<i32>} : memref<25600xf32, #tpu.memory_space<vmem>>, vector<16xf32>,
      %get3A_118 = vector.shape_cast %get3A_117 : vector<16xf32> to vector<16xf32>
      %add3A_119 = arith.addf %add3A_115, %get3A_118 : vector<16xf32>
      %add3A_120 = arith.constant 80 : i32
      %add3A_121 = arith.addi %mul3A_70, %add3A_120 : i32
      %get3A_122 = arith.index_cast %add3A_121 : i32 to index
      %get3A_123 = tpu.vector_load %arg9[%get3A_122] {strides = array<i32>} : memref<25600xf32, #tpu.memory_space<vmem>>, vector<16xf32>,
      %get3A_124 = vector.shape_cast %get3A_123 : vector<16xf32> to vector<16xf32>
      %add3A_125 = arith.addf %scan3A_66, %get3A_124 : vector<16xf32>
      %get3A_126 = arith.index_cast %add3A_121 : i32 to index
      %get3A_127 = tpu.vector_load %arg10[%get3A_126] {strides = array<i32>} : memref<25600xf32, #tpu.memory_space<vmem>>, vector<16xf32>,
      %get3A_128 = vector.shape_cast %get3A_127 : vector<16xf32> to vector<16xf32>
      %add3A_129 = arith.addf %add3A_125, %get3A_128 : vector<16xf32>
      %add3A_130 = arith.constant 96 : i32
      %add3A_131 = arith.addi %mul3A_70, %add3A_130 : i32
      %get3A_132 = arith.index_cast %add3A_131 : i32 to index
      %get3A_133 = tpu.vector_load %arg9[%get3A_132] {strides = array<i32>} : memref<25600xf32, #tpu.memory_space<vmem>>, vector<16xf32>,
      %get3A_134 = vector.shape_cast %get3A_133 : vector<16xf32> to vector<16xf32>
      %add3A_135 = arith.addf %scan3A_67, %get3A_134 : vector<16xf32>
      %get3A_136 = arith.index_cast %add3A_131 : i32 to index
      %get3A_137 = tpu.vector_load %arg10[%get3A_136] {strides = array<i32>} : memref<25600xf32, #tpu.memory_space<vmem>>, vector<16xf32>,
      %get3A_138 = vector.shape_cast %get3A_137 : vector<16xf32> to vector<16xf32>
      %add3A_139 = arith.addf %add3A_135, %get3A_138 : vector<16xf32>
      %add3A_140 = arith.constant 112 : i32
      %add3A_141 = arith.addi %mul3A_70, %add3A_140 : i32
      %get3A_142 = arith.index_cast %add3A_141 : i32 to index
      %get3A_143 = tpu.vector_load %arg9[%get3A_142] {strides = array<i32>} : memref<25600xf32, #tpu.memory_space<vmem>>, vector<16xf32>,
      %get3A_144 = vector.shape_cast %get3A_143 : vector<16xf32> to vector<16xf32>
      %add3A_145 = arith.addf %scan3A_68, %get3A_144 : vector<16xf32>
      %get3A_146 = arith.index_cast %add3A_141 : i32 to index
      %get3A_147 = tpu.vector_load %arg10[%get3A_146] {strides = array<i32>} : memref<25600xf32, #tpu.memory_space<vmem>>, vector<16xf32>,
      %get3A_148 = vector.shape_cast %get3A_147 : vector<16xf32> to vector<16xf32>
      %add3A_149 = arith.addf %add3A_145, %get3A_148 : vector<16xf32>
      scf.yield %add3A_79, %add3A_89, %add3A_99, %add3A_109, %add3A_119, %add3A_129, %add3A_139, %add3A_149 : vector<16xf32>, vector<16xf32>, vector<16xf32>, vector<16xf32>, vector<16xf32>, vector<16xf32>, vector<16xf32>, vector<16xf32>
    }
    %scan3A_26 = arith.constant 200 : i32
    %swap3A = arith.constant 0 : index
    %swap3A_27 = tpu.vector_load %arg11[%swap3A] {strides = array<i32>} : memref<128xf32, #tpu.memory_space<vmem>>, vector<16xf32>,
    %swap3A_28 = vector.shape_cast %swap3A_27 : vector<16xf32> to vector<16xf32>
    %swap3A_29 = vector.shape_cast %scan3A_25#0 : vector<16xf32> to vector<16xf32>
    tpu.vector_store %arg11[%swap3A], %swap3A_29 {strides = array<i32>} : memref<128xf32, #tpu.memory_space<vmem>>, vector<16xf32>,
    %swap3A_30 = arith.constant 16 : index
    %swap3A_31 = tpu.vector_load %arg11[%swap3A_30] {strides = array<i32>} : memref<128xf32, #tpu.memory_space<vmem>>, vector<16xf32>,
    %swap3A_32 = vector.shape_cast %swap3A_31 : vector<16xf32> to vector<16xf32>
    %swap3A_33 = vector.shape_cast %scan3A_25#1 : vector<16xf32> to vector<16xf32>
    tpu.vector_store %arg11[%swap3A_30], %swap3A_33 {strides = array<i32>} : memref<128xf32, #tpu.memory_space<vmem>>, vector<16xf32>,
    %swap3A_34 = arith.constant 32 : index
    %swap3A_35 = tpu.vector_load %arg11[%swap3A_34] {strides = array<i32>} : memref<128xf32, #tpu.memory_space<vmem>>, vector<16xf32>,
    %swap3A_36 = vector.shape_cast %swap3A_35 : vector<16xf32> to vector<16xf32>
    %swap3A_37 = vector.shape_cast %scan3A_25#2 : vector<16xf32> to vector<16xf32>
    tpu.vector_store %arg11[%swap3A_34], %swap3A_37 {strides = array<i32>} : memref<128xf32, #tpu.memory_space<vmem>>, vector<16xf32>,
    %swap3A_38 = arith.constant 48 : index
    %swap3A_39 = tpu.vector_load %arg11[%swap3A_38] {strides = array<i32>} : memref<128xf32, #tpu.memory_space<vmem>>, vector<16xf32>,
    %swap3A_40 = vector.shape_cast %swap3A_39 : vector<16xf32> to vector<16xf32>
    %swap3A_41 = vector.shape_cast %scan3A_25#3 : vector<16xf32> to vector<16xf32>
    tpu.vector_store %arg11[%swap3A_38], %swap3A_41 {strides = array<i32>} : memref<128xf32, #tpu.memory_space<vmem>>, vector<16xf32>,
    %swap3A_42 = arith.constant 64 : index
    %swap3A_43 = tpu.vector_load %arg11[%swap3A_42] {strides = array<i32>} : memref<128xf32, #tpu.memory_space<vmem>>, vector<16xf32>,
    %swap3A_44 = vector.shape_cast %swap3A_43 : vector<16xf32> to vector<16xf32>
    %swap3A_45 = vector.shape_cast %scan3A_25#4 : vector<16xf32> to vector<16xf32>
    tpu.vector_store %arg11[%swap3A_42], %swap3A_45 {strides = array<i32>} : memref<128xf32, #tpu.memory_space<vmem>>, vector<16xf32>,
    %swap3A_46 = arith.constant 80 : index
    %swap3A_47 = tpu.vector_load %arg11[%swap3A_46] {strides = array<i32>} : memref<128xf32, #tpu.memory_space<vmem>>, vector<16xf32>,
    %swap3A_48 = vector.shape_cast %swap3A_47 : vector<16xf32> to vector<16xf32>
    %swap3A_49 = vector.shape_cast %scan3A_25#5 : vector<16xf32> to vector<16xf32>
    tpu.vector_store %arg11[%swap3A_46], %swap3A_49 {strides = array<i32>} : memref<128xf32, #tpu.memory_space<vmem>>, vector<16xf32>,
    %swap3A_50 = arith.constant 96 : index
    %swap3A_51 = tpu.vector_load %arg11[%swap3A_50] {strides = array<i32>} : memref<128xf32, #tpu.memory_space<vmem>>, vector<16xf32>,
    %swap3A_52 = vector.shape_cast %swap3A_51 : vector<16xf32> to vector<16xf32>
    %swap3A_53 = vector.shape_cast %scan3A_25#6 : vector<16xf32> to vector<16xf32>
    tpu.vector_store %arg11[%swap3A_50], %swap3A_53 {strides = array<i32>} : memref<128xf32, #tpu.memory_space<vmem>>, vector<16xf32>,
    %swap3A_54 = arith.constant 112 : index
    %swap3A_55 = tpu.vector_load %arg11[%swap3A_54] {strides = array<i32>} : memref<128xf32, #tpu.memory_space<vmem>>, vector<16xf32>,
    %swap3A_56 = vector.shape_cast %swap3A_55 : vector<16xf32> to vector<16xf32>
    %swap3A_57 = vector.shape_cast %scan3A_25#7 : vector<16xf32> to vector<16xf32>
    tpu.vector_store %arg11[%swap3A_54], %swap3A_57 {strides = array<i32>} : memref<128xf32, #tpu.memory_space<vmem>>, vector<16xf32>,
    %mul3A_58 = arith.constant 128 : i32
    %mul3A_59 = arith.muli %add3A, %mul3A_58 : i32
    "tpu.region"() ({
      %run_scoped3A = tpu.sem_alloc : memref<!tpu.dma_semaphore, #tpu.memory_space<semaphore_mem>>
      %dma_start3A_60 = tpu.memref_slice %arg6[%mul3A_59] : memref<4096xf32, #tpu.memory_space<hbm>> -> memref<128xf32, #tpu.memory_space<hbm>>
      %dma_start3A_61 = tpu.memref_slice %arg6[%mul3A_59] : memref<4096xf32, #tpu.memory_space<hbm>> -> memref<128xf32, #tpu.memory_space<hbm>>
      tpu.enqueue_dma source(%arg11 : memref<128xf32, #tpu.memory_space<vmem>>) target(%dma_start3A_61 : memref<128xf32, #tpu.memory_space<hbm>>) target_semaphore(%run_scoped3A : memref<!tpu.dma_semaphore, #tpu.memory_space<semaphore_mem>>)
      %dma_wait3A_62 = tpu.memref_slice %arg6[%mul3A_59] : memref<4096xf32, #tpu.memory_space<hbm>> -> memref<128xf32, #tpu.memory_space<hbm>>
      %dma_wait3A_63 = tpu.memref_slice %arg6[%mul3A_59] : memref<4096xf32, #tpu.memory_space<hbm>> -> memref<128xf32, #tpu.memory_space<hbm>>
      tpu.wait_dma2 semaphore(%run_scoped3A : memref<!tpu.dma_semaphore, #tpu.memory_space<semaphore_mem>>) src(%arg11 : memref<128xf32, #tpu.memory_space<vmem>>) dst(%dma_wait3A_63 : memref<128xf32, #tpu.memory_space<hbm>>)
      tpu.yield
    }) : () -> ()
    return
  }
}

module attributes {stable_mosaic.version = 14 : i64} {
  func.func @_rowdot_body(%arg0: i32, %arg1: memref<8000x128xf32, #tpu.memory_space<vmem>>, %arg2: memref<128x1xf32, #tpu.memory_space<vmem>>, %arg3: memref<8000x1xf32, #tpu.memory_space<vmem>>) attributes {dimension_semantics = [#tpu.dimension_semantics<arbitrary>], iteration_bounds = array<i64: 125>, scalar_prefetch = 0 : i64, scratch_operands = 0 : i64, tpu.core_type = #tpu.core_type<tc>, window_params = [{transform_indices = @transform_0, window_bounds = array<i64: 8000, 128>}, {pipeline_mode = #tpu.pipeline_mode<synchronous>, transform_indices = @transform_1, window_bounds = array<i64: 128, 1>}, {transform_indices = @transform_2, window_bounds = array<i64: 8000, 1>}]} {
    %get3A = arith.constant 0 : index
    %get3A_0 = arith.constant 0 : index
    %get3A_1 = vector.load %arg1[%get3A, %get3A_0] : memref<8000x128xf32, #tpu.memory_space<vmem>>, vector<8000x128xf32>
    %get3A_2 = arith.constant 0 : index
    %get3A_3 = arith.constant 0 : index
    %get3A_4 = vector.load %arg2[%get3A_2, %get3A_3] : memref<128x1xf32, #tpu.memory_space<vmem>>, vector<128x1xf32>
    %dot_general3A = arith.constant dense<0.000000e+00> : vector<8000x1xf32>
    %dot_general3A_5 = tpu.matmul %get3A_1, %get3A_4, %dot_general3A {dimension_numbers = #tpu.dot_dimension_numbers<[1], [0], [0], [1], [0, 0, 1, 1], [], []>, transpose_lhs_hint = false} : vector<8000x128xf32>, vector<128x1xf32>, vector<8000x1xf32> -> vector<8000x1xf32>
    %swap3A = arith.constant 0 : index
    %swap3A_6 = arith.constant 0 : index
    %swap3A_7 = vector.load %arg3[%swap3A, %swap3A_6] : memref<8000x1xf32, #tpu.memory_space<vmem>>, vector<8000x1xf32>
    tpu.vector_store %arg3[%swap3A, %swap3A_6], %dot_general3A_5 {strides = array<i32>} : memref<8000x1xf32, #tpu.memory_space<vmem>>, vector<8000x1xf32>,
    return
  }
  func.func @transform_0(%arg0: i32) -> (i32, i32) {
    %c0_i32 = arith.constant 0 : i32
    %c0_i32_0 = arith.constant 0 : i32
    return %arg0, %c0_i32 : i32, i32
  }
  func.func @transform_1(%arg0: i32) -> (i32, i32) {
    %c0_i32 = arith.constant 0 : i32
    %c0_i32_0 = arith.constant 0 : i32
    %c0_i32_1 = arith.constant 0 : i32
    return %c0_i32, %c0_i32_0 : i32, i32
  }
  func.func @transform_2(%arg0: i32) -> (i32, i32) {
    %c0_i32 = arith.constant 0 : i32
    %c0_i32_0 = arith.constant 0 : i32
    return %arg0, %c0_i32 : i32, i32
  }
}

module attributes {stable_mosaic.version = 14 : i64} {
  func.func @_rowdot_body(%arg0: i32, %arg1: memref<1000x32xf32, #tpu.memory_space<vmem>>, %arg2: memref<32x1xf32, #tpu.memory_space<vmem>>, %arg3: memref<1000x1xf32, #tpu.memory_space<vmem>>) attributes {dimension_semantics = [#tpu.dimension_semantics<arbitrary>], iteration_bounds = array<i64: 1>, scalar_prefetch = 0 : i64, scratch_operands = 0 : i64, tpu.core_type = #tpu.core_type<tc>, window_params = [{transform_indices = @transform_0, window_bounds = array<i64: 1000, 32>}, {pipeline_mode = #tpu.pipeline_mode<synchronous>, transform_indices = @transform_1, window_bounds = array<i64: 32, 1>}, {transform_indices = @transform_2, window_bounds = array<i64: 1000, 1>}]} {
    %get3A = arith.constant 0 : index
    %get3A_0 = arith.constant 0 : index
    %get3A_1 = vector.load %arg1[%get3A, %get3A_0] : memref<1000x32xf32, #tpu.memory_space<vmem>>, vector<1000x32xf32>
    %get3A_2 = arith.constant 0 : index
    %get3A_3 = arith.constant 0 : index
    %get3A_4 = vector.load %arg2[%get3A_2, %get3A_3] : memref<32x1xf32, #tpu.memory_space<vmem>>, vector<32x1xf32>
    %dot_general3A = arith.constant dense<0.000000e+00> : vector<1000x1xf32>
    %dot_general3A_5 = tpu.matmul %get3A_1, %get3A_4, %dot_general3A {dimension_numbers = #tpu.dot_dimension_numbers<[1], [0], [0], [1], [0, 0, 1, 1], [], []>, transpose_lhs_hint = false} : vector<1000x32xf32>, vector<32x1xf32>, vector<1000x1xf32> -> vector<1000x1xf32>
    %swap3A = arith.constant 0 : index
    %swap3A_6 = arith.constant 0 : index
    %swap3A_7 = vector.load %arg3[%swap3A, %swap3A_6] : memref<1000x1xf32, #tpu.memory_space<vmem>>, vector<1000x1xf32>
    tpu.vector_store %arg3[%swap3A, %swap3A_6], %dot_general3A_5 {strides = array<i32>} : memref<1000x1xf32, #tpu.memory_space<vmem>>, vector<1000x1xf32>,
    return
  }
  func.func @transform_0(%arg0: i32) -> (i32, i32) {
    %c0_i32 = arith.constant 0 : i32
    %c0_i32_0 = arith.constant 0 : i32
    return %arg0, %c0_i32 : i32, i32
  }
  func.func @transform_1(%arg0: i32) -> (i32, i32) {
    %c0_i32 = arith.constant 0 : i32
    %c0_i32_0 = arith.constant 0 : i32
    %c0_i32_1 = arith.constant 0 : i32
    return %c0_i32, %c0_i32_0 : i32, i32
  }
  func.func @transform_2(%arg0: i32) -> (i32, i32) {
    %c0_i32 = arith.constant 0 : i32
    %c0_i32_0 = arith.constant 0 : i32
    return %arg0, %c0_i32 : i32, i32
  }
}

module attributes {stable_mosaic.version = 14 : i64} {
  func.func @_rowdot_body(%arg0: i32, %arg1: memref<128x12800xf32, #tpu.memory_space<vmem>>, %arg2: memref<12800x1xf32, #tpu.memory_space<vmem>>, %arg3: memref<128x1xf32, #tpu.memory_space<vmem>>) attributes {dimension_semantics = [#tpu.dimension_semantics<arbitrary>], iteration_bounds = array<i64: 32>, scalar_prefetch = 0 : i64, scratch_operands = 0 : i64, tpu.core_type = #tpu.core_type<tc>, window_params = [{transform_indices = @transform_0, window_bounds = array<i64: 128, 12800>}, {pipeline_mode = #tpu.pipeline_mode<synchronous>, transform_indices = @transform_1, window_bounds = array<i64: 12800, 1>}, {transform_indices = @transform_2, window_bounds = array<i64: 128, 1>}]} {
    %get3A = arith.constant 0 : index
    %get3A_0 = arith.constant 0 : index
    %get3A_1 = vector.load %arg1[%get3A, %get3A_0] : memref<128x12800xf32, #tpu.memory_space<vmem>>, vector<128x12800xf32>
    %get3A_2 = arith.constant 0 : index
    %get3A_3 = arith.constant 0 : index
    %get3A_4 = vector.load %arg2[%get3A_2, %get3A_3] : memref<12800x1xf32, #tpu.memory_space<vmem>>, vector<12800x1xf32>
    %dot_general3A = arith.constant dense<0.000000e+00> : vector<128x1xf32>
    %dot_general3A_5 = tpu.matmul %get3A_1, %get3A_4, %dot_general3A {dimension_numbers = #tpu.dot_dimension_numbers<[1], [0], [0], [1], [0, 0, 1, 1], [], []>, transpose_lhs_hint = false} : vector<128x12800xf32>, vector<12800x1xf32>, vector<128x1xf32> -> vector<128x1xf32>
    %swap3A = arith.constant 0 : index
    %swap3A_6 = arith.constant 0 : index
    %swap3A_7 = vector.load %arg3[%swap3A, %swap3A_6] : memref<128x1xf32, #tpu.memory_space<vmem>>, vector<128x1xf32>
    tpu.vector_store %arg3[%swap3A, %swap3A_6], %dot_general3A_5 {strides = array<i32>} : memref<128x1xf32, #tpu.memory_space<vmem>>, vector<128x1xf32>,
    return
  }
  func.func @transform_0(%arg0: i32) -> (i32, i32) {
    %c0_i32 = arith.constant 0 : i32
    %c0_i32_0 = arith.constant 0 : i32
    return %arg0, %c0_i32 : i32, i32
  }
  func.func @transform_1(%arg0: i32) -> (i32, i32) {
    %c0_i32 = arith.constant 0 : i32
    %c0_i32_0 = arith.constant 0 : i32
    %c0_i32_1 = arith.constant 0 : i32
    return %c0_i32, %c0_i32_0 : i32, i32
  }
  func.func @transform_2(%arg0: i32) -> (i32, i32) {
    %c0_i32 = arith.constant 0 : i32
    %c0_i32_0 = arith.constant 0 : i32
    return %arg0, %c0_i32 : i32, i32
  }
}

module attributes {stable_mosaic.version = 14 : i64} {
  func.func @_combine_body(%arg0: memref<32x128xf32, #tpu.memory_space<vmem>>, %arg1: memref<32x128xf32, #tpu.memory_space<vmem>>, %arg2: memref<1x1xf32, #tpu.memory_space<vmem>>, %arg3: memref<32x128xf32, #tpu.memory_space<vmem>>) attributes {dimension_semantics = [], scalar_prefetch = 0 : i64, scratch_operands = 0 : i64, tpu.core_type = #tpu.core_type<tc>} {
    %get3A = arith.constant 0 : index
    %get3A_0 = arith.constant 0 : index
    %get3A_1 = vector.load %arg0[%get3A, %get3A_0] : memref<32x128xf32, #tpu.memory_space<vmem>>, vector<32x128xf32>
    %get3A_2 = arith.constant 0 : index
    %get3A_3 = arith.constant 0 : index
    %get3A_4 = vector.load %arg1[%get3A_2, %get3A_3] : memref<32x128xf32, #tpu.memory_space<vmem>>, vector<32x128xf32>
    %add3A = arith.addf %get3A_1, %get3A_4 : vector<32x128xf32>
    %mul3A = arith.constant 5.000000e-03 : f32
    %mul3A_5 = vector.broadcast %mul3A : f32 to vector<32x128xf32>
    %mul3A_6 = arith.mulf %add3A, %mul3A_5 : vector<32x128xf32>
    %get3A_7 = arith.constant 0 : index
    %get3A_8 = arith.constant 0 : index
    %get3A_9 = vector.load %arg2[%get3A_7, %get3A_8] : memref<1x1xf32, #tpu.memory_space<vmem>>, vector<1x1xf32>
    %add3A_10 = vector.broadcast %get3A_9 : vector<1x1xf32> to vector<32x128xf32>
    %add3A_11 = arith.addf %mul3A_6, %add3A_10 : vector<32x128xf32>
    %logistic3A = arith.negf %add3A_11 : vector<32x128xf32>
    %logistic3A_12 = math.exp %logistic3A : vector<32x128xf32>
    %logistic3A_13 = arith.constant 1.000000e+00 : f32
    %logistic3A_14 = vector.broadcast %logistic3A_13 : f32 to vector<32x128xf32>
    %logistic3A_15 = arith.addf %logistic3A_14, %logistic3A_12 : vector<32x128xf32>
    %logistic3A_16 = arith.divf %logistic3A_14, %logistic3A_15 : vector<32x128xf32>
    %swap3A = arith.constant 0 : index
    %swap3A_17 = arith.constant 0 : index
    %swap3A_18 = vector.load %arg3[%swap3A, %swap3A_17] : memref<32x128xf32, #tpu.memory_space<vmem>>, vector<32x128xf32>
    tpu.vector_store %arg3[%swap3A, %swap3A_17], %logistic3A_16 {strides = array<i32>} : memref<32x128xf32, #tpu.memory_space<vmem>>, vector<32x128xf32>,
    return
  }
}

</mosaic_0001>

<sc_bundles>
// kernel: kernel.7.cloned.1.call-start
scs
__scs_entry_jumppad:
0x0: {  	(pc) =	sbr.rel $0x88, $3  }
0x1: {  	(tag) =	ssettag $0x0;
	lr =	simm.s32 $0x1  }
0x2: {  	[smem:$0x3F9A] =	sst lr;
	_ =	strace $0xD0000000  }
0x3: {  	_ = 	snop  }
0x4: {  	_ = 	snop  }
0x5: {  	_ = 	snop  }
0x6: {  	_ = 	snop  }
0x7: {  	_ = 	snop  }
__scs_overlays_trampoline_lowered:
0x8: {  	[smem:$0x3FA9] =	sst s0  }
0x9: {  	[smem:$0x3FAA] =	sst s1  }
0xa: {  	[smem:$0x3FAB] =	sst s2  }
0xb: {  	[smem:$0x3FAC] =	sst s3  }
0xc: {  	[smem:$0x3FAD] =	sst s4  }
0xd: {  	[smem:$0x3FAE] =	sst s5  }
0xe: {  	[smem:$0x3FAF] =	sst s6  }
0xf: {  	[smem:$0x3FB0] =	sst s7  }
0x10: {  	[smem:$0x3FB1] =	sst s8  }
0x11: {  	[smem:$0x3FB2] =	sst s9;
	s0 =	simm.s32 @!p0 $0x0  }
0x12: {  	s1 =	sld [smem:$0x3F98];
	s0 =	simm.s32 @p0 $0x1  }
0x13: {  	[smem:$0x3FB3] =	sst s0;
	s0 =	simm.s32 @!p1 $0x0  }
0x14: {  	s2 =	sld [smem:$0x3F97];
	s0 =	simm.s32 @p1 $0x1  }
0x15: {  	[smem:$0x3FB4] =	sst s0;
	s0 =	simm.s32 @!p2 $0x0  }
0x16: {  	s3 =	sld [smem:$0x3FDB];
	s0 =	simm.s32 @p2 $0x1  }
0x17: {  	s4 =	simm.s32 $0x1BF5;
	[smem:$0x3FB6] =	sst s0  }
0x18: {  	s0 =	sld [smem:$0x3F99];
	_ =	swait.ge [sflag:s4], $0x0  }
0x19: {  	s7 =	sld [smem:$0x3F9A]  }
0x1a: {  	s8 =	sadd.s32 $0xFFFFE003, lr  }
0x1b: {  	s9 =	sadd.s32 $0xFFFFFEF7, lr;
	s5 =	simm.s32 $0xFFFFFFFF;
	p2 =	slt.u32 s8, $0xFFFFF086  }
0x1c: {  	p1 =	slt.u32 s9, $0xF7A;
	s5 =	simm.s32 @!p2 $0x0  }
0x1d: {  	s5 =	simm.s32 @p1 $0x1;
	p0 =	seq.s32 s7, s2  }
0x1e: {  	s7 =	smul.u32 @!p0 $0xF7A, s2;
	p2 =	seq.s32 @!p0 s5, $0x0  }
0x1f: {  	s9 =	smul.u32 $0xF7A, s1;
	s8 =	simm.s32 @!p0 $0x1BF5;
	p2 =	por !p2, p0  }
0x20: {  	[sflag:s8] =	ssyncset.s32 @!p0 $0xFFFFF086;
	s6 =	sadd.s32 @!p0 s3, s7;
	s7 =	simm.s32 @!p0 $0x108  }
0x21: {  	s3 =	sadd.s32 s3, s9;
	s6 =	sadd.s32 @!p0 $0x88, s6;
	s7 =	simm.s32 @p2 $0x1082  }
0x22: {  	[simem:s7], [sflag:s8] =	dma.local @!p0 [hbm:s6], $0xF7A  }
0x23: {  	s9 =	sor.u32 $0xD0000000, s2;
	s6 =	simm.s32 $0x108;
	_ =	swait.ge @!p0 [sflag:s8], $0x0  }
0x24: {  	s3 =	sadd.s32 $0x88, s3;
	s6 =	simm.s32 @!p1 $0x1082;
	[sflag:s4] =	ssyncset.s32 $0xFFFFF086  }
0x25: {  	[simem:s6], [sflag:s4] =	dma.local [hbm:s3], $0xF7A  }
0x26: {  	[smem:$0x3F9A] =	sst s1;
	(tag) =	ssettag s2;
	_ =	strace s9  }
0x27: {  	s1 =	sld [smem:$0x3FAA]  }
0x28: {  	s2 =	sld [smem:$0x3FAB]  }
0x29: {  	s4 =	sld [smem:$0x3FAD]  }
0x2a: {  	p0 =	seq.s32 s5, $0x0;
	s5 =	sld [smem:$0x3FAE]  }
0x2b: {  	s6 =	sld [smem:$0x3FAF]  }
0x2c: {  	s7 =	sld [smem:$0x3FB0]  }
0x2d: {  	s3 =	simm.s32 $0x108;
	s8 =	sld [smem:$0x3FB1]  }
0x2e: {  	s3 =	simm.s32 @!p0 $0x1082;
	s9 =	sld [smem:$0x3FB2]  }
0x2f: {  	lr =	sadd.s32 s0, s3;
	s0 =	sld [smem:$0x3FA9]  }
0x30: {  	s3 =	sld [smem:$0x3FAC]  }
0x31: {  	[smem:$0x3FB5] =	sst s10  }
0x32: {  	s10 =	sld [smem:$0x3FB3];
	_ =	sdelay $0x3  }
0x33: {  	p0 =	seq.s32 s10, $0x1;
	s10 =	sld [smem:$0x3FB5];
	_ =	sdelay $0x3  }
0x34: {  	[smem:$0x3FB5] =	sst s10  }
0x35: {  	s10 =	sld [smem:$0x3FB4];
	_ =	sdelay $0x3  }
0x36: {  	p1 =	seq.s32 s10, $0x1;
	s10 =	sld [smem:$0x3FB5];
	_ =	sdelay $0x3  }
0x37: {  	[smem:$0x3FB5] =	sst s10  }
0x38: {  	s10 =	sld [smem:$0x3FB6]  }
0x39: {  	_ = 	snop;
	(pc) =	sbr.ind lr, $3  }
0x3a: {  	_ = 	snop  }
0x3b: {  	_ = 	snop  }
0x3c: {  	p2 =	seq.s32 s10, $0x1;
	s10 =	sld [smem:$0x3FB5]  }
0x3d: {  	_ =	shalt  }
0x3e: {  	_ =	shalt  }
0x3f: {  	_ =	shalt  }
0x40: {  	_ =	shalt  }
0x41: {  	_ =	shalt  }
0x42: {  	_ =	shalt  }
0x43: {  	_ =	shalt  }
0x44: {  	_ =	shalt  }
0x45: {  	_ =	shalt  }
0x46: {  	_ =	shalt  }
0x47: {  	_ =	shalt  }
0x48: {  	_ =	shalt  }
0x49: {  	_ =	shalt  }
0x4a: {  	_ =	shalt  }
0x4b: {  	_ =	shalt  }
0x4c: {  	_ =	shalt  }
0x4d: {  	_ =	shalt  }
0x4e: {  	_ =	shalt  }
0x4f: {  	_ =	shalt  }
0x50: {  	_ =	shalt  }
0x51: {  	_ =	shalt  }
0x52: {  	_ =	shalt  }
0x53: {  	_ =	shalt  }
0x54: {  	_ =	shalt  }
0x55: {  	_ =	shalt  }
0x56: {  	_ =	shalt  }
0x57: {  	_ =	shalt  }
0x58: {  	_ =	shalt  }
0x59: {  	_ =	shalt  }
0x5a: {  	_ =	shalt  }
0x5b: {  	_ =	shalt  }
0x5c: {  	_ =	shalt  }
0x5d: {  	_ =	shalt  }
0x5e: {  	_ =	shalt  }
0x5f: {  	_ =	shalt  }
0x60: {  	_ =	shalt  }
0x61: {  	_ =	shalt  }
0x62: {  	_ =	shalt  }
0x63: {  	_ =	shalt  }
0x64: {  	_ =	shalt  }
0x65: {  	_ =	shalt  }
0x66: {  	_ =	shalt  }
0x67: {  	_ =	shalt  }
0x68: {  	_ =	shalt  }
0x69: {  	_ =	shalt  }
0x6a: {  	_ =	shalt  }
0x6b: {  	_ =	shalt  }
0x6c: {  	_ =	shalt  }
0x6d: {  	_ =	shalt  }
0x6e: {  	_ =	shalt  }
0x6f: {  	_ =	shalt  }
0x70: {  	_ =	shalt  }
0x71: {  	_ =	shalt  }
0x72: {  	_ =	shalt  }
0x73: {  	_ =	shalt  }
0x74: {  	_ =	shalt  }
0x75: {  	_ =	shalt  }
0x76: {  	_ =	shalt  }
0x77: {  	_ =	shalt  }
0x78: {  	_ =	shalt  }
0x79: {  	_ =	shalt  }
0x7a: {  	_ =	shalt  }
0x7b: {  	_ =	shalt  }
0x7c: {  	_ =	shalt  }
0x7d: {  	_ =	shalt  }
0x7e: {  	_ =	shalt  }
0x7f: {  	_ =	shalt  }
0x80: {  	_ =	shalt  }
0x81: {  	_ =	shalt  }
0x82: {  	_ =	shalt  }
0x83: {  	_ =	shalt  }
0x84: {  	_ =	shalt  }
0x85: {  	_ =	shalt  }
0x86: {  	_ =	shalt  }
0x87: {  	_ =	shalt  }
.Lfunc_end0:
.L_simem_size_0:
called_computation_lowered:
.L_overlay_start_0:
0x88: {  	s2 =	sld [smem:$0x3FD9]  }
0x89: {  	s3 =	sld [smem:$0x3FFE];
	_ =	sdelay $0x1  }
0x8a: {  	s1 =	srdreg.scid  }
0x8b: {  	s0 =	sand.u32 $0x1, s1  }
0x8c: {  	s17 =	sshll.u32 s0, $0xA;
	s2 =	sadd.s32 s3, s2  }
0x8d: {  	s2 =	sadd.s32 s2, s17  }
0x8e: {  	[smem:$0x3FC1] =	sst s2  }
0x8f: {  	_ = 	snop  }
0x90: {  	s2 =	sld [smem:$0x3FD0];
	(tm) =	ssettm $0x1  }
0x91: {  	s18 =	sld [smem:$0x3FFB];
	_ =	sdelay $0x3  }
0x92: {  	_ =	strace s18  }
0x93: {  	s3 =	sld [smem:$0x3FFC];
	_ =	sdelay $0x3  }
0x94: {  	_ =	strace s3  }
0x95: {  	s3 =	sld [smem:$0x3FFD];
	_ =	sdelay $0x3  }
0x96: {  	_ =	strace s3  }
0x97: {  	_ =	strace $0x8FFFFFFF  }
0x98: {  	s19 =	sld [smem:$0x3FDB];
	_ =	sdelay $0x1  }
0x99: {  	s4 =	simm.s32 $_scs_section_size  }
0x9a: {  	s5 =	simm.s32 $_size__tile_overlayer_lowered;
	s6 =	simm.s32 $_tile_overlayer_lowered  }
0x9b: {  	s22 =	simm.s32 $0x1BFF;
	s21 =	sshll.u32 s6, $0x1;
	s3 =	sadd.s32 s4, s19  }
0x9c: {  	s7 =	simm.s32 $0x0;
	s20 =	sshll.u32 s5, $0x1;
	s5 =	sadd.s32 s21, s3  }
0x9d: {  	[timem:s7], [sflag:s22] =	dma.local [hbm:s5], s20  }
0x9e: {  	_ =	swait.ge [sflag:s22], s20  }
0x9f: {  	s4 =	ssub.s32 $0x0, s20;
	[sflag:s22] =	ssyncset.done $0x0  }
0xa0: {  	[sflag:s22] =	ssyncadd.s32 s4;
	_ =	sdelay $0x1  }
0xa1: {  	s23 =	simm.s32 $0x1B8B  }
0xa2: {  	_ =	swait.ge [sflag:s23], $0x1  }
0xa3: {  	[sflag:s23] =	ssyncset.done $0x0  }
0xa4: {  	s25 =	simm.s32 $0x1B8E;
	s24 =	sld [smem:$0x3FFE];
	[sflag:s23] =	ssyncadd.s32 $0xFFFFFFFF  }
0xa5: {  	s26 =	simm.s32 $execute0_lowered;
	[smem:$0x3FD2] =	sst s25  }
0xa6: {  	s5 =	sshll.u32 s26, $0x1;
	_ =	strace $0x80000046;
	[dreg:$0x1] =	wrdreg $0xFFFFFFFF  }
0xa7: {  	s28 =	simm.s32 $_size_execute0_lowered;
	s3 =	sadd.s32 s3, s5;
	[dreg:$0x0] =	wrdreg $0x0  }
0xa8: {  	s5 =	sshll.u32 s28, $0x1;
	[dreg:$0x2] =	wrdreg s3  }
0xa9: {  	[dreg:$0x3] =	wrdreg s5  }
0xaa: {  	[dreg:$0x4] =	wrdreg $0xC0  }
0xab: {  	_ =	task [dreg:s7], $0x5FFFF  }
0xac: {  	[dreg:$0x1] =	wrdreg $0xFFFFFFFF  }
0xad: {  	[dreg:$0x0] =	wrdreg $0x60  }
0xae: {  	[dreg:$0x2] =	wrdreg s24  }
0xaf: {  	[dreg:$0x3] =	wrdreg s2  }
0xb0: {  	[dreg:$0x4] =	wrdreg $0x9  }
0xb1: {  	_ =	task.clear_ibuf [dreg:s7], $0x5FFFF;
	_ =	strace $0x90000046  }
0xb2: {  	s29 =	simm.s32 $0x9;
	_ =	strace $0x80000048  }
0xb3: {  	_ =	swait.ge [sflag:s29], $0x1  }
0xb4: {  	[sflag:s29] =	ssyncadd.s32 $0xFFFFFFFF  }
0xb5: {  	_ =	strace $0x90000048  }
0xb6: {  	_ =	sfence  }
0xb7: {  	s30 =	sld [smem:$0x0];
	_ =	sdelay $0x2  }
0xb8: {  	s31 =	sshll.u32 s1, $0xD;
	s1 =	sshrl.u32 s1, $0x2  }
0xb9: {  	s3 =	sand.u32 $0x4000, s31;
	s1 =	sadd.s32 s1, s30  }
0xba: {  	s0 =	sor.u32 s3, s0;
	s1 =	sshll.u32 s1, $0x11  }
0xbb: {  	s0 =	sor.u32 s1, s0  }
0xbc: {  	s0 =	sadd.s32 $0x8F2B, s0  }
0xbd: {  	[sflag:s0] =	ssyncadd.remote.s32 $0x1  }
0xbe: {  	_ =	sfence.sel $0xFFFF  }
0xbf: {  	[dreg:$0x0] =	wrdreg $0xFFFFFFFF;
	(pc) =	sbr.abs _section_cstart, $3  }
0xc0: {  	[dreg:$0x1] =	wrdreg $0xFFFFFFFF  }
0xc1: {  	_ =	task.clear_ibuf [dreg:s7], $0x2FFFF;
	_ =	strace $0x9FFFFFFF  }
0xc2: {  	(tm) =	ssettm $0x7FFFFFFF  }
0xc3: {  	_ =	shalt  }
tec
execute0_lowered:
.L_overlay_start_1:
0x0: {  	(tag) =	ssettag $0x1  }
0x1: {  	s1 =	srdreg.scid;
	s4 =	rddreg [dreg:$0x0]  }
0x2: {  	s0 =	stileid.u32;
	s8 =	rddreg [dreg:$0x1];
	s2 =	simm.s32 $0x0  }
0x3: {  	s11 =	simm.s32 $0x3;
	s12 =	simm.s32 $0x6400;
	s13 =	simm.s32 $0xC800  }
0x4: {  	s14 =	simm.s32 $0x12C00;
	s15 =	simm.s32 $0x1;
	s16 =	simm.s32 $0x2  }
0x5: {  	s17 =	simm.s32 $0x19000;
	s18 =	simm.s32 $0x0;
	s3 =	sand.u32 $0x1, s1  }
0x6: {  	s26 =	sshll.u32 s0, $0x1;
	s28 =	sshrl.u32 s0, $0x2;
	s1 =	rddreg [dreg:$0x2]  }
0x7: {  	[smem:$0x7FF] =	sst s2;
	s7 =	sor.u32 s3, s26;
	s5 =	smul.u32 $0x32000, s28  }
0x8: {  	s30 =	ssub.s32 $0x2, s3;
	_ =	strace $0x80000047;
	s29 =	sshll.u32 s7, $0x7  }
0x9: {  	s3 =	sadd.s32 $0xF78C00, s4;
	s31 =	sshrl.u32 s30, $0x1;
	s6 =	sand.u32 $0x380, s29  }
0xa: {  	s7 =	sshll.u32 s7, $0x4;
	s10 =	ssub.s32 s30, s31;
	s5 =	sor.u32 s5, s6  }
0xb: {  	s7 =	sadd.s32 s8, s7;
	s8 =	smax.u32 s10, $0x1;
	s5 =	sshrl.u32 s5, $0x3  }
0xc: {  	s10 =	simm.s32 $0x400;
	s9 =	sadd.s32 s5, s4;
	s4 =	sadd.s32 $0x32800, s4  }
0xd: {  	s5 =	sadd.s32 $0x19800, s9;
	s6 =	sadd.s32 $0x800, s9;
	s9 =	simm.s32 $0x80  }
.LBB2_1:
0xe: {  	[tilespmem:s2], [sflag:$0x3] =	stream.strided.gather [hbm4b:s5+s9], $0x6400, s10, s9, $0x38;
	[tilespmem:$0x19080] =	vst v63  }
0xf: {  	_ =	swait.ge [sflag:s11], $0x6400  }
0x10: {  	[sflag:s11] =	ssyncset.done $0x0  }
0x11: {  	[sflag:s11] =	ssyncadd.s32 $0xFFFF9C00  }
0x12: {  	[tilespmem:s12], [sflag:$0x3] =	stream.strided.gather [hbm4b:s6+s9], $0x6400, s10, s9, $0x38;
	[tilespmem:$0x19080] =	vst v63  }
0x13: {  	_ =	swait.ge [sflag:s11], $0x6400  }
0x14: {  	[sflag:s11] =	ssyncset.done $0x0  }
0x15: {  	[sflag:s11] =	ssyncadd.s32 $0xFFFF9C00  }
0x16: {  	[tilespmem:s13], [sflag:$0x1] =	stream.indirect.gather [hbm4b:s3+s12], $0x1, s2, s12, $0xb8;
	[tilespmem:$0x19080] =	vst v63  }
0x17: {  	_ = 	snop  }
0x18: {  	[tilespmem:s14], [sflag:$0x2] =	stream.indirect.gather [hbm4b:s4+s12], $0x1, s12, s12, $0xb8;
	[tilespmem:$0x19080] =	vst v63  }
0x19: {  	_ =	swait.ge [sflag:s15], $0x6400  }
0x1a: {  	[sflag:s15] =	ssyncset.done $0x0  }
0x1b: {  	[sflag:s15] =	ssyncadd.s32 $0xFFFF9C00  }
0x1c: {  	_ =	swait.ge [sflag:s16], $0x6400  }
0x1d: {  	[sflag:s16] =	ssyncset.done $0x0  }
0x1e: {  	s19 =	simm.s32 $0x0;
	[sflag:s16] =	ssyncadd.s32 $0xFFFF9C00  }
0x1f: {  	v2 =	vld [tilespmem:s19+$0x12C00]  }
0x20: {  	v5 =	vld [tilespmem:s19+$0x12C10]  }
0x21: {  	v3 =	vld [tilespmem:s19+$0x12C20]  }
0x22: {  	v4 =	vld [tilespmem:s19+$0x12C30]  }
0x23: {  	v0 =	vld [tilespmem:s19+$0x12C40]  }
0x24: {  	v1 =	vld [tilespmem:s19+$0x12C50]  }
0x25: {  	v19 =	vld [tilespmem:s19+$0xC800]  }
0x26: {  	v20 =	vld [tilespmem:s19+$0xC810]  }
0x27: {  	v18 =	vld [tilespmem:s19+$0xC820]  }
0x28: {  	v17 =	vld [tilespmem:s19+$0xC830]  }
0x29: {  	v10 =	vimm.f32 $0.0e+00;
	v11 =	vimm.f32 $0.0e+00;
	v14 =	vld [tilespmem:s19+$0xC840]  }
0x2a: {  	v13 =	vimm.f32 $0.0e+00;
	v12 =	vimm.f32 $0.0e+00;
	v8 =	vimm.f32 $0.0e+00;
	v15 =	vld [tilespmem:s19+$0xC850]  }
0x2b: {  	s20 =	simm.s32 $0x200;
	v9 =	vimm.f32 $0.0e+00;
	v7 =	vimm.f32 $0.0e+00;
	v6 =	vimm.f32 $0.0e+00;
	v16 =	vld [tilespmem:s19+$0xC860]  }
.LBB2_2:
0x2c: {  	p0 =	sne.s32 s20, $0x18E00;
	v10 =	vadd.f32 v19, v10;
	v11 =	vadd.f32 v20, v11;
	v19 =	vld [tilespmem:s19+$0xC870]  }
0x2d: {  	v13 =	vadd.f32 v18, v13;
	v12 =	vadd.f32 v17, v12;
	v17 =	vld [tilespmem:s19+$0x12C60]  }
0x2e: {  	v10 =	vadd.f32 v2, v10;
	v11 =	vadd.f32 v5, v11;
	v18 =	vld [tilespmem:s19+$0x12C70];
	s19 =	sshra.s32 s20, $0x2  }
0x2f: {  	v13 =	vadd.f32 v3, v13;
	v2 =	vld [tilespmem:s19+$0x12C00];
	v12 =	vadd.f32 v4, v12  }
0x30: {  	v8 =	vadd.f32 v14, v8;
	v9 =	vadd.f32 v15, v9;
	v5 =	vld [tilespmem:s19+$0x12C10]  }
0x31: {  	v7 =	vadd.f32 v16, v7;
	v3 =	vld [tilespmem:s19+$0x12C20];
	v6 =	vadd.f32 v19, v6  }
0x32: {  	v8 =	vadd.f32 v0, v8;
	v9 =	vadd.f32 v1, v9;
	v4 =	vld [tilespmem:s19+$0x12C30]  }
0x33: {  	v7 =	vadd.f32 v17, v7;
	v0 =	vld [tilespmem:s19+$0x12C40];
	v6 =	vadd.f32 v18, v6  }
0x34: {  	v1 =	vld [tilespmem:s19+$0x12C50]  }
0x35: {  	v19 =	vld [tilespmem:s19+$0xC800]  }
0x36: {  	v20 =	vld [tilespmem:s19+$0xC810]  }
.Ltmp0:
0x37: {  	v18 =	vld [tilespmem:s19+$0xC820];
	(pc) =	sbr.rel @p0 .LBB2_2-.Ltmp0, $4  }
0x38: {  	v17 =	vld [tilespmem:s19+$0xC830]  }
0x39: {  	v14 =	vld [tilespmem:s19+$0xC840]  }
0x3a: {  	v15 =	vld [tilespmem:s19+$0xC850]  }
0x3b: {  	s20 =	sadd.s32 $0x200, s20;
	v16 =	vld [tilespmem:s19+$0xC860]  }
0x3c: {  	v10 =	vadd.f32 v19, v10  }
0x3d: {  	v11 =	vadd.f32 v20, v11  }
0x3e: {  	v54 =	vld [tilespmem:s19+$0xC870];
	v13 =	vadd.f32 v18, v13;
	v2 =	vadd.f32 v2, v10  }
0x3f: {  	v55 =	vld [tilespmem:s19+$0x12C60];
	v56 =	vadd.f32 v17, v12;
	v5 =	vadd.f32 v5, v11  }
0x40: {  	v57 =	vld [tilespmem:s19+$0x12C70];
	v3 =	vadd.f32 v3, v13;
	v8 =	vadd.f32 v14, v8;
	[tilespmem:$0x19000] =	vst v2  }
0x41: {  	v58 =	vadd.f32 v4, v56;
	v59 =	vadd.f32 v15, v9;
	[tilespmem:$0x19010] =	vst v5  }
0x42: {  	v60 =	vadd.f32 v16, v7;
	v0 =	vadd.f32 v0, v8;
	[tilespmem:$0x19020] =	vst v3  }
0x43: {  	v61 =	vadd.f32 v54, v6;
	v1 =	vadd.f32 v1, v59;
	[tilespmem:$0x19030] =	vst v58  }
0x44: {  	v62 =	vadd.f32 v55, v60;
	[tilespmem:$0x19040] =	vst v0  }
0x45: {  	s18 =	sadd.s32 $0x1, s18;
	v63 =	vadd.f32 v57, v61;
	[tilespmem:$0x19050] =	vst v1  }
0x46: {  	p0 =	sne.s32 s18, s8;
	[tilespmem:$0x19060] =	vst v62  }
.Ltmp1:
0x47: {  	[tilespmem:$0x19070] =	vst v63;
	(pc) =	sbr.rel @p0 .LBB2_1-.Ltmp1, $4  }
0x48: {  	[hbm4b:s7+s2] =	stream.linear.scatter [tilespmem:s17], [sflag:$0x3], $0x80, $0x38;
	[tilespmem:$0x19080] =	vst v63  }
0x49: {  	_ =	swait.ge [sflag:s11], $0x80  }
0x4a: {  	[sflag:s11] =	ssyncset.done $0x0  }
0x4b: {  	[sflag:s11] =	ssyncadd.s32 $0xFFFFFF80  }
0x4c: {  	_ =	sfence.sel $0x180000  }
0x4d: {  	[bflag:$0x0] =	sbarrier.arrive $0xFFFF  }
0x4e: {  	p0 =	sne.s32 s0, $0x0;
	_ =	strace $0x90000047  }
0x4f: {  	s0 =	sadd.s32 @!p0 $0x100000, s1;
	[bflag:$0x2] =	sbarrier.arrive $0xFFFF  }
0x50: {  	[sflag:s0] =	ssyncadd.tile.s32 @!p0 $0x1;
	_ =	shalt  }
.Lfunc_end2:
_tile_overlayer_lowered:
.L_overlay_start_2:
0x51: {  	(tag) =	ssettag $0x2  }
0x52: {  	s0 =	rddreg [dreg:$0x0];
	s2 =	stileid.u32  }
0x53: {  	s1 =	rddreg [dreg:$0x1];
	p0 =	sne.s32 s2, $0x0  }
0x54: {  	s3 =	rddreg [dreg:$0x2];
	[bflag:$0x3] =	sbarrier.arrive $0xFFFF;
	s2 =	simm.s32 @!p0 $0x1C03  }
0x55: {  	[timem:s3], [sflag:s2] =	dma.local @!p0 [hbm:s0], s1  }
0x56: {  	s0 =	simm.s32 @!p0 $0x3  }
0x57: {  	_ =	swait.ge @!p0 [sflag:s0], s1  }
0x58: {  	s1 =	ssub.s32 @!p0 $0x0, s1;
	[sflag:s0] =	ssyncset.done @!p0 $0x0  }
0x59: {  	[sflag:s0] =	ssyncadd.s32 @!p0 s1  }
0x5a: {  	[bflag:$0x3] =	sbarrier.arrive $0xFFFF  }
0x5b: {  	_ =	shalt  }

</sc_bundles>
